<compile_context>
chip_gen: v7x
topology: tpu7x:2x2x1
jax: 0.10.2.dev20260603
libtpu: 0.0.44.dev20260713+nightly
codegen_flags: <defaults>
</compile_context>

<pallas_src>
import functools

import jax
import jax.numpy as jnp
from jax import lax
from jax.experimental import pallas as pl
from jax.experimental.pallas import tpu as pltpu
from jax.experimental.pallas import tpu_sc as plsc

B = 1024
_CT = (((1,), (1,)), ((), ()))


def _tc1_body(xs_ref, idx_ref):
    x = xs_ref[:]
    sqh = 0.5 * jnp.sum(x * x, axis=1, keepdims=True)
    x_h = x.astype(jnp.bfloat16)
    x_m = (x - x_h.astype(jnp.float32)).astype(jnp.bfloat16)
    cat_l = jnp.concatenate([x_h, x_m, x_h], axis=1)
    cat_r = jnp.concatenate([x_h, x_h, x_m], axis=1)
    g = jax.lax.dot_general(cat_l, cat_r, (((1,), (1,)), ((), ())),
                            preferred_element_type=jnp.float32)
    score = jnp.transpose(sqh) - g
    row = jax.lax.broadcasted_iota(jnp.int32, (B, B), 0)
    col = jax.lax.broadcasted_iota(jnp.int32, (B, B), 1)
    score = jnp.where(row == col, jnp.float32(1e9), score)
    rowmin = jnp.min(score, axis=1, keepdims=True)
    cand = jnp.where(score == rowmin, col, B)
    idx_ref[:] = jnp.min(cand, axis=1, keepdims=True)


def _sc_gather(table, idx):
    info = plsc.get_sparse_core_info()
    nc, ns = info.num_cores, info.num_subcores
    nw = nc * ns
    b_per_w = B // nw
    d = table.shape[1]
    mesh = plsc.VectorSubcoreMesh(core_axis_name="c", subcore_axis_name="s")

    @functools.partial(
        pl.kernel, mesh=mesh,
        out_type=jax.ShapeDtypeStruct((B, d), jnp.float32),
        scratch_types=[
            pltpu.VMEM((b_per_w,), jnp.int32),
            pltpu.VMEM((b_per_w, d), jnp.float32),
            pltpu.SemaphoreType.DMA,
        ],
    )
    def k(table_hbm, idx_hbm, out_hbm, idx_v, rows_v, sem):
        wid = lax.axis_index("s") * nc + lax.axis_index("c")
        base = wid * b_per_w
        pltpu.sync_copy(idx_hbm.at[pl.ds(base, b_per_w)], idx_v)
        pltpu.async_copy(table_hbm.at[idx_v], rows_v, sem).wait()
        pltpu.sync_copy(rows_v, out_hbm.at[pl.ds(base, b_per_w)])

    return k(table, idx)


def _tc2_body(xs_ref, x0_ref, w1_ref, b1_ref, w2_ref, b2_ref, w3_ref, b3_ref,
              w4_ref, b4_ref, w5_ref, b5_ref, w6_ref, b6_ref,
              xhat_ref, zs_ref):
    x0 = x0_ref[:]
    a1 = jax.lax.dot_general(x0, w1_ref[:], _CT) + b1_ref[:][None, :]
    t1 = jax.lax.dot_general(xs_ref[:] - x0, w1_ref[:], _CT)
    h1 = jnp.maximum(a1, 0.0)
    dt1 = jnp.where(a1 > 0.0, t1, 0.0)

    a2 = jax.lax.dot_general(h1, w2_ref[:], _CT) + b2_ref[:][None, :]
    t2 = jax.lax.dot_general(dt1, w2_ref[:], _CT)
    h2 = jnp.maximum(a2, 0.0)
    dt2 = jnp.where(a2 > 0.0, t2, 0.0)

    z0 = jax.lax.dot_general(h2, w3_ref[:], _CT) + b3_ref[:][None, :]
    gz = jax.lax.dot_general(dt2, w3_ref[:], _CT)
    zs = z0 + gz
    zs_ref[:] = zs

    h4 = jnp.maximum(jax.lax.dot_general(zs, w4_ref[:], _CT) + b4_ref[:][None, :], 0.0)
    h5 = jnp.maximum(jax.lax.dot_general(h4, w5_ref[:], _CT) + b5_ref[:][None, :], 0.0)
    xhat_ref[:] = jax.lax.dot_general(h5, w6_ref[:], _CT) + b6_ref[:][None, :]


def kernel(xs, W1, b1, W2, b2, W3, b3, W4, b4, W5, b5, W6, b6):
    d = xs.shape[1]
    nz = W3.shape[0]
    tc1 = pl.pallas_call(
        _tc1_body,
        out_shape=jax.ShapeDtypeStruct((B, 1), jnp.int32),
    )
    idx = tc1(xs)
    x0 = _sc_gather(xs, jnp.reshape(idx, (B,)))
    tc2 = pl.pallas_call(
        _tc2_body,
        out_shape=(
            jax.ShapeDtypeStruct((B, d), jnp.float32),
            jax.ShapeDtypeStruct((B, nz), jnp.float32),
        ),
    )
    x_hats, zs = tc2(xs, x0, W1, b1, W2, b2, W3, b3, W4, b4, W5, b5, W6, b6)
    return (x_hats, zs)

# --- scband reference (transcript-rebuilt; emitter-appended) ---
"""Pipeline reference for scband-taylor-autoencoder-50525995270523 (READ-ONLY COPY).

The authoritative reference and input builder live on the scoring server;
editing this copy changes nothing except your own understanding.
"""

import jax, jax.numpy as jnp
import numpy as np

B = 1024
D = 256
LATENT = 16

def _encoder(x, W1, b1, W2, b2, W3, b3):
    h = jax.nn.relu(W1 @ x + b1)
    h = jax.nn.relu(W2 @ h + b2)
    return W3 @ h + b3

def _decoder(z, W4, b4, W5, b5, W6, b6):
    h = jax.nn.relu(W4 @ z + b4)
    h = jax.nn.relu(W5 @ h + b5)
    return W6 @ h + b6

def setup_inputs(seed: int = 0):
    key = jax.random.key(seed)
    ks = jax.random.split(key, 13)
    def init(k, shape, fan_in):
        lim = 1.0 / np.sqrt(fan_in)
        return jax.random.uniform(k, shape, minval=-lim, maxval=lim, dtype=jnp.float32)
    xs = jax.random.normal(ks[0], (B, D), dtype=jnp.float32)
    W1 = init(ks[1], (64, D), D); b1 = init(ks[2], (64,), D)
    W2 = init(ks[3], (32, 64), 64); b2 = init(ks[4], (32,), 64)
    W3 = init(ks[5], (LATENT, 32), 32); b3 = init(ks[6], (LATENT,), 32)
    W4 = init(ks[7], (32, LATENT), LATENT); b4 = init(ks[8], (32,), LATENT)
    W5 = init(ks[9], (64, 32), 32); b5 = init(ks[10], (64,), 32)
    W6 = init(ks[11], (D, 64), 64); b6 = init(ks[12], (D,), 64)
    return {"xs": xs, "W1": W1, "b1": b1, "W2": W2, "b2": b2, "W3": W3, "b3": b3, "W4": W4, "b4": b4, "W5": W5, "b5": b5, "W6": W6, "b6": b6}

def reference(xs, W1, b1, W2, b2, W3, b3, W4, b4, W5, b5, W6, b6):
    dists = jnp.linalg.norm(xs[:, None, :] - xs[None, :, :], axis=-1)
    closest_indices = jnp.argmin(dists + jnp.eye(dists.shape[0], dtype=dists.dtype) * 1000000.0, axis=1)
    x0s = xs[closest_indices]
    def enc(v):
        return _encoder(v, W1, b1, W2, b2, W3, b3)
    def taylor_encode(x, x0):
        z0, grad_z0 = jax.jvp(enc, (x0,), (x - x0,))
        return z0 + grad_z0
    zs = jax.vmap(taylor_encode)(xs, x0s)
    x_hats = jax.vmap(lambda z: _decoder(z, W4, b4, W5, b5, W6, b6))(zs)
    return (x_hats, zs)

if __name__ == "__main__":
    import jax
    _d = setup_inputs()
    print(jax.jit(kernel)(*tuple(_d.values())))

</pallas_src>

<mosaic_0001>
#map = affine_map<(d0, d1) -> (0, 0)>
#map1 = affine_map<(d0, d1) -> (0)>
module attributes {stable_mosaic.version = 14 : i64} {
  func.func @k(%arg0: i32, %arg1: i32, %arg2: memref<1024x256xf32, #tpu.memory_space<hbm>>, %arg3: memref<1024xi32, #tpu.memory_space<hbm>>, %arg4: memref<1024x256xf32, #tpu.memory_space<hbm>>, %arg5: memref<32xi32, #tpu.memory_space<vmem>>, %arg6: memref<32x256xf32, #tpu.memory_space<vmem>>, %arg7: memref<!tpu.dma_semaphore, #tpu.memory_space<semaphore_mem>>) attributes {dimension_semantics = [#tpu.dimension_semantics<core_parallel>, #tpu.dimension_semantics<subcore_parallel>], iteration_bounds = array<i64: 2, 16>, scalar_prefetch = 0 : i64, scratch_operands = 3 : i64, tpu.core_type = #tpu.core_type<sc_vector_subcore>, window_params = [{transform_indices = #map}, {transform_indices = #map1}, {transform_indices = #map}]} {
    %mul3A = arith.constant 2 : i32
    %mul3A_0 = arith.muli %arg1, %mul3A : i32
    %add3A = arith.addi %mul3A_0, %arg0 : i32
    %mul3A_1 = arith.constant 32 : i32
    %mul3A_2 = arith.muli %add3A, %mul3A_1 : i32
    "tpu.region"() ({
      %run_scoped3A = tpu.sem_alloc : memref<!tpu.dma_semaphore, #tpu.memory_space<semaphore_mem>>
      %dma_start3A_7 = tpu.memref_slice %arg3[%mul3A_2] : memref<1024xi32, #tpu.memory_space<hbm>> -> memref<32xi32, #tpu.memory_space<hbm>>
      %dma_start3A_8 = tpu.memref_slice %arg3[%mul3A_2] : memref<1024xi32, #tpu.memory_space<hbm>> -> memref<32xi32, #tpu.memory_space<hbm>>
      tpu.enqueue_dma source(%dma_start3A_8 : memref<32xi32, #tpu.memory_space<hbm>>) target(%arg5 : memref<32xi32, #tpu.memory_space<vmem>>) target_semaphore(%run_scoped3A : memref<!tpu.dma_semaphore, #tpu.memory_space<semaphore_mem>>)
      %dma_wait3A_9 = tpu.memref_slice %arg3[%mul3A_2] : memref<1024xi32, #tpu.memory_space<hbm>> -> memref<32xi32, #tpu.memory_space<hbm>>
      %dma_wait3A_10 = tpu.memref_slice %arg3[%mul3A_2] : memref<1024xi32, #tpu.memory_space<hbm>> -> memref<32xi32, #tpu.memory_space<hbm>>
      tpu.wait_dma2 semaphore(%run_scoped3A : memref<!tpu.dma_semaphore, #tpu.memory_space<semaphore_mem>>) src(%dma_wait3A_10 : memref<32xi32, #tpu.memory_space<hbm>>) dst(%arg5 : memref<32xi32, #tpu.memory_space<vmem>>)
      tpu.yield
    }) : () -> ()
    %dma_start3A = arith.constant 0 : i32
    %dma_start3A_3 = arith.constant 0 : i32
    %dma_start3A_4 = tpu.memref_slice %arg2[%dma_start3A, %dma_start3A_3] : memref<1024x256xf32, #tpu.memory_space<hbm>> -> memref<1024x256xf32, #tpu.memory_space<hbm>>
    tpu.enqueue_indirect_dma source(%dma_start3A_4 : memref<1024x256xf32, #tpu.memory_space<hbm>>) target(%arg6 : memref<32x256xf32, #tpu.memory_space<vmem>>) offsets(%arg5 : memref<32xi32, #tpu.memory_space<vmem>>) semaphore(%arg7 : memref<!tpu.dma_semaphore, #tpu.memory_space<semaphore_mem>>)
    %dma_wait3A = arith.constant 0 : i32
    %dma_wait3A_5 = arith.constant 0 : i32
    %dma_wait3A_6 = tpu.memref_slice %arg2[%dma_wait3A, %dma_wait3A_5] : memref<1024x256xf32, #tpu.memory_space<hbm>> -> memref<1024x256xf32, #tpu.memory_space<hbm>>
    tpu.wait_indirect_dma semaphore(%arg7 : memref<!tpu.dma_semaphore, #tpu.memory_space<semaphore_mem>>) src(%dma_wait3A_6 : memref<1024x256xf32, #tpu.memory_space<hbm>>) dst(%arg6 : memref<32x256xf32, #tpu.memory_space<vmem>>)
    "tpu.region"() ({
      %run_scoped3A = tpu.sem_alloc : memref<!tpu.dma_semaphore, #tpu.memory_space<semaphore_mem>>
      %dma_start3A_7 = arith.constant 0 : i32
      %dma_start3A_8 = tpu.memref_slice %arg4[%mul3A_2, %dma_start3A_7] : memref<1024x256xf32, #tpu.memory_space<hbm>> -> memref<32x256xf32, #tpu.memory_space<hbm>>
      %dma_start3A_9 = arith.constant 0 : i32
      %dma_start3A_10 = tpu.memref_slice %arg4[%mul3A_2, %dma_start3A_9] : memref<1024x256xf32, #tpu.memory_space<hbm>> -> memref<32x256xf32, #tpu.memory_space<hbm>>
      tpu.enqueue_dma source(%arg6 : memref<32x256xf32, #tpu.memory_space<vmem>>) target(%dma_start3A_10 : memref<32x256xf32, #tpu.memory_space<hbm>>) target_semaphore(%run_scoped3A : memref<!tpu.dma_semaphore, #tpu.memory_space<semaphore_mem>>)
      %dma_wait3A_11 = arith.constant 0 : i32
      %dma_wait3A_12 = tpu.memref_slice %arg4[%mul3A_2, %dma_wait3A_11] : memref<1024x256xf32, #tpu.memory_space<hbm>> -> memref<32x256xf32, #tpu.memory_space<hbm>>
      %dma_wait3A_13 = arith.constant 0 : i32
      %dma_wait3A_14 = tpu.memref_slice %arg4[%mul3A_2, %dma_wait3A_13] : memref<1024x256xf32, #tpu.memory_space<hbm>> -> memref<32x256xf32, #tpu.memory_space<hbm>>
      tpu.wait_dma2 semaphore(%run_scoped3A : memref<!tpu.dma_semaphore, #tpu.memory_space<semaphore_mem>>) src(%arg6 : memref<32x256xf32, #tpu.memory_space<vmem>>) dst(%dma_wait3A_14 : memref<32x256xf32, #tpu.memory_space<hbm>>)
      tpu.yield
    }) : () -> ()
    return
  }
}

module attributes {stable_mosaic.version = 14 : i64} {
  func.func @_tc1_body(%arg0: memref<1024x256xf32, #tpu.memory_space<vmem>>, %arg1: memref<1024x1xi32, #tpu.memory_space<vmem>>) attributes {dimension_semantics = [], scalar_prefetch = 0 : i64, scratch_operands = 0 : i64, tpu.core_type = #tpu.core_type<tc>} {
    %get3A = arith.constant 0 : index
    %get3A_0 = arith.constant 0 : index
    %get3A_1 = vector.load %arg0[%get3A, %get3A_0] : memref<1024x256xf32, #tpu.memory_space<vmem>>, vector<1024x256xf32>
    %mul3A = arith.mulf %get3A_1, %get3A_1 : vector<1024x256xf32>
    %reduce_sum3A = arith.constant dense<0.000000e+00> : vector<1024xf32>
    %reduce_sum3A_2 = vector.multi_reduction <add>, %mul3A, %reduce_sum3A [1] : vector<1024x256xf32> to vector<1024xf32>
    %broadcast_in_dim3A = vector.shape_cast %reduce_sum3A_2 : vector<1024xf32> to vector<1024x1xf32>
    %mul3A_3 = arith.constant 5.000000e-01 : f32
    %mul3A_4 = vector.broadcast %mul3A_3 : f32 to vector<1024x1xf32>
    %mul3A_5 = arith.mulf %mul3A_4, %broadcast_in_dim3A : vector<1024x1xf32>
    %convert_element_type3A = arith.truncf %get3A_1 : vector<1024x256xf32> to vector<1024x256xbf16>
    %convert_element_type3A_6 = arith.extf %convert_element_type3A : vector<1024x256xbf16> to vector<1024x256xf32>
    %sub3A = arith.subf %get3A_1, %convert_element_type3A_6 : vector<1024x256xf32>
    %convert_element_type3A_7 = arith.truncf %sub3A : vector<1024x256xf32> to vector<1024x256xbf16>
    %concatenate3A = tpu.concatenate %convert_element_type3A, %convert_element_type3A_7, %convert_element_type3A in 1 : vector<1024x256xbf16>, vector<1024x256xbf16>, vector<1024x256xbf16> -> vector<1024x768xbf16>
    %concatenate3A_8 = tpu.concatenate %convert_element_type3A, %convert_element_type3A, %convert_element_type3A_7 in 1 : vector<1024x256xbf16>, vector<1024x256xbf16>, vector<1024x256xbf16> -> vector<1024x768xbf16>
    %dot_general3A = arith.constant dense<0.000000e+00> : vector<1024x1024xf32>
    %dot_general3A_9 = tpu.matmul %concatenate3A, %concatenate3A_8, %dot_general3A {dimension_numbers = #tpu.dot_dimension_numbers<[1], [1], [0], [0], [0, 0, 1, 0], [], []>, transpose_lhs_hint = false} : vector<1024x768xbf16>, vector<1024x768xbf16>, vector<1024x1024xf32> -> vector<1024x1024xf32>
    %transpose3A = tpu.transpose %mul3A_5, [1, 0] : vector<1024x1xf32> -> vector<1x1024xf32>
    %sub3A_10 = vector.broadcast %transpose3A : vector<1x1024xf32> to vector<1024x1024xf32>
    %sub3A_11 = arith.subf %sub3A_10, %dot_general3A_9 : vector<1024x1024xf32>
    %iota3A = tpu.iota {dimensions = array<i32: 0>} : vector<1024x1024xi32>
    %iota3A_12 = tpu.iota {dimensions = array<i32: 1>} : vector<1024x1024xi32>
    %eq3A = arith.cmpi eq, %iota3A, %iota3A_12 : vector<1024x1024xi32>
    %jit3A = arith.constant 1.000000e+09 : f32
    %broadcast_in_dim3A_13 = vector.broadcast %jit3A : f32 to vector<1024x1024xf32>
    %select_n3A = arith.select %eq3A, %broadcast_in_dim3A_13, %sub3A_11 : vector<1024x1024xi1>, vector<1024x1024xf32>
    %reduce_min3A = arith.constant dense<0x7F800000> : vector<1024xf32>
    %reduce_min3A_14 = vector.multi_reduction <minimumf>, %select_n3A, %reduce_min3A [1] : vector<1024x1024xf32> to vector<1024xf32>
    %broadcast_in_dim3A_15 = vector.shape_cast %reduce_min3A_14 : vector<1024xf32> to vector<1024x1xf32>
    %eq3A_16 = vector.broadcast %broadcast_in_dim3A_15 : vector<1024x1xf32> to vector<1024x1024xf32>
    %eq3A_17 = arith.cmpf oeq, %select_n3A, %eq3A_16 : vector<1024x1024xf32>
    %jit3A_18 = arith.constant 1024 : i32
    %broadcast_in_dim3A_19 = vector.broadcast %jit3A_18 : i32 to vector<1024x1024xi32>
    %select_n3A_20 = arith.select %eq3A_17, %iota3A_12, %broadcast_in_dim3A_19 : vector<1024x1024xi1>, vector<1024x1024xi32>
    %reduce_min3A_21 = arith.constant dense<2147483647> : vector<1024xi32>
    %reduce_min3A_22 = vector.multi_reduction <minsi>, %select_n3A_20, %reduce_min3A_21 [1] : vector<1024x1024xi32> to vector<1024xi32>
    %broadcast_in_dim3A_23 = vector.shape_cast %reduce_min3A_22 : vector<1024xi32> to vector<1024x1xi32>
    %swap3A = arith.constant 0 : index
    %swap3A_24 = arith.constant 0 : index
    %swap3A_25 = vector.load %arg1[%swap3A, %swap3A_24] : memref<1024x1xi32, #tpu.memory_space<vmem>>, vector<1024x1xi32>
    tpu.vector_store %arg1[%swap3A, %swap3A_24], %broadcast_in_dim3A_23 {strides = array<i32>} : memref<1024x1xi32, #tpu.memory_space<vmem>>, vector<1024x1xi32>,
    return
  }
}

module attributes {stable_mosaic.version = 14 : i64} {
  func.func @_tc2_body(%arg0: memref<1024x256xf32, #tpu.memory_space<vmem>>, %arg1: memref<1024x256xf32, #tpu.memory_space<vmem>>, %arg2: memref<64x256xf32, #tpu.memory_space<vmem>>, %arg3: memref<64xf32, #tpu.memory_space<vmem>>, %arg4: memref<32x64xf32, #tpu.memory_space<vmem>>, %arg5: memref<32xf32, #tpu.memory_space<vmem>>, %arg6: memref<16x32xf32, #tpu.memory_space<vmem>>, %arg7: memref<16xf32, #tpu.memory_space<vmem>>, %arg8: memref<32x16xf32, #tpu.memory_space<vmem>>, %arg9: memref<32xf32, #tpu.memory_space<vmem>>, %arg10: memref<64x32xf32, #tpu.memory_space<vmem>>, %arg11: memref<64xf32, #tpu.memory_space<vmem>>, %arg12: memref<256x64xf32, #tpu.memory_space<vmem>>, %arg13: memref<256xf32, #tpu.memory_space<vmem>>, %arg14: memref<1024x256xf32, #tpu.memory_space<vmem>>, %arg15: memref<1024x16xf32, #tpu.memory_space<vmem>>) attributes {dimension_semantics = [], scalar_prefetch = 0 : i64, scratch_operands = 0 : i64, tpu.core_type = #tpu.core_type<tc>} {
    %get3A = arith.constant 0 : index
    %get3A_0 = arith.constant 0 : index
    %get3A_1 = vector.load %arg1[%get3A, %get3A_0] : memref<1024x256xf32, #tpu.memory_space<vmem>>, vector<1024x256xf32>
    %get3A_2 = arith.constant 0 : index
    %get3A_3 = arith.constant 0 : index
    %get3A_4 = vector.load %arg2[%get3A_2, %get3A_3] : memref<64x256xf32, #tpu.memory_space<vmem>>, vector<64x256xf32>
    %dot_general3A = arith.constant dense<0.000000e+00> : vector<1024x64xf32>
    %dot_general3A_5 = tpu.matmul %get3A_1, %get3A_4, %dot_general3A {dimension_numbers = #tpu.dot_dimension_numbers<[1], [1], [0], [0], [0, 0, 1, 0], [], []>, transpose_lhs_hint = false} : vector<1024x256xf32>, vector<64x256xf32>, vector<1024x64xf32> -> vector<1024x64xf32>
    %get3A_6 = arith.constant 0 : index
    %get3A_7 = vector.load %arg3[%get3A_6] : memref<64xf32, #tpu.memory_space<vmem>>, vector<64xf32>
    %broadcast_in_dim3A = vector.shape_cast %get3A_7 : vector<64xf32> to vector<1x64xf32>
    %add3A = vector.broadcast %broadcast_in_dim3A : vector<1x64xf32> to vector<1024x64xf32>
    %add3A_8 = arith.addf %dot_general3A_5, %add3A : vector<1024x64xf32>
    %get3A_9 = arith.constant 0 : index
    %get3A_10 = arith.constant 0 : index
    %get3A_11 = vector.load %arg0[%get3A_9, %get3A_10] : memref<1024x256xf32, #tpu.memory_space<vmem>>, vector<1024x256xf32>
    %sub3A = arith.subf %get3A_11, %get3A_1 : vector<1024x256xf32>
    %get3A_12 = arith.constant 0 : index
    %get3A_13 = arith.constant 0 : index
    %get3A_14 = vector.load %arg2[%get3A_12, %get3A_13] : memref<64x256xf32, #tpu.memory_space<vmem>>, vector<64x256xf32>
    %dot_general3A_15 = arith.constant dense<0.000000e+00> : vector<1024x64xf32>
    %dot_general3A_16 = tpu.matmul %sub3A, %get3A_14, %dot_general3A_15 {dimension_numbers = #tpu.dot_dimension_numbers<[1], [1], [0], [0], [0, 0, 1, 0], [], []>, transpose_lhs_hint = false} : vector<1024x256xf32>, vector<64x256xf32>, vector<1024x64xf32> -> vector<1024x64xf32>
    %max3A = arith.constant 0.000000e+00 : f32
    %max3A_17 = vector.broadcast %max3A : f32 to vector<1024x64xf32>
    %max3A_18 = arith.maximumf %add3A_8, %max3A_17 : vector<1024x64xf32>
    %gt3A = arith.constant 0.000000e+00 : f32
    %gt3A_19 = vector.broadcast %gt3A : f32 to vector<1024x64xf32>
    %gt3A_20 = arith.cmpf ogt, %add3A_8, %gt3A_19 : vector<1024x64xf32>
    %jit3A = arith.constant 0.000000e+00 : f32
    %broadcast_in_dim3A_21 = vector.broadcast %jit3A : f32 to vector<1024x64xf32>
    %select_n3A = arith.select %gt3A_20, %dot_general3A_16, %broadcast_in_dim3A_21 : vector<1024x64xi1>, vector<1024x64xf32>
    %get3A_22 = arith.constant 0 : index
    %get3A_23 = arith.constant 0 : index
    %get3A_24 = vector.load %arg4[%get3A_22, %get3A_23] : memref<32x64xf32, #tpu.memory_space<vmem>>, vector<32x64xf32>
    %dot_general3A_25 = arith.constant dense<0.000000e+00> : vector<1024x32xf32>
    %dot_general3A_26 = tpu.matmul %max3A_18, %get3A_24, %dot_general3A_25 {dimension_numbers = #tpu.dot_dimension_numbers<[1], [1], [0], [0], [0, 0, 1, 0], [], []>, transpose_lhs_hint = false} : vector<1024x64xf32>, vector<32x64xf32>, vector<1024x32xf32> -> vector<1024x32xf32>
    %get3A_27 = arith.constant 0 : index
    %get3A_28 = vector.load %arg5[%get3A_27] : memref<32xf32, #tpu.memory_space<vmem>>, vector<32xf32>
    %broadcast_in_dim3A_29 = vector.shape_cast %get3A_28 : vector<32xf32> to vector<1x32xf32>
    %add3A_30 = vector.broadcast %broadcast_in_dim3A_29 : vector<1x32xf32> to vector<1024x32xf32>
    %add3A_31 = arith.addf %dot_general3A_26, %add3A_30 : vector<1024x32xf32>
    %get3A_32 = arith.constant 0 : index
    %get3A_33 = arith.constant 0 : index
    %get3A_34 = vector.load %arg4[%get3A_32, %get3A_33] : memref<32x64xf32, #tpu.memory_space<vmem>>, vector<32x64xf32>
    %dot_general3A_35 = arith.constant dense<0.000000e+00> : vector<1024x32xf32>
    %dot_general3A_36 = tpu.matmul %select_n3A, %get3A_34, %dot_general3A_35 {dimension_numbers = #tpu.dot_dimension_numbers<[1], [1], [0], [0], [0, 0, 1, 0], [], []>, transpose_lhs_hint = false} : vector<1024x64xf32>, vector<32x64xf32>, vector<1024x32xf32> -> vector<1024x32xf32>
    %max3A_37 = arith.constant 0.000000e+00 : f32
    %max3A_38 = vector.broadcast %max3A_37 : f32 to vector<1024x32xf32>
    %max3A_39 = arith.maximumf %add3A_31, %max3A_38 : vector<1024x32xf32>
    %gt3A_40 = arith.constant 0.000000e+00 : f32
    %gt3A_41 = vector.broadcast %gt3A_40 : f32 to vector<1024x32xf32>
    %gt3A_42 = arith.cmpf ogt, %add3A_31, %gt3A_41 : vector<1024x32xf32>
    %jit3A_43 = arith.constant 0.000000e+00 : f32
    %broadcast_in_dim3A_44 = vector.broadcast %jit3A_43 : f32 to vector<1024x32xf32>
    %select_n3A_45 = arith.select %gt3A_42, %dot_general3A_36, %broadcast_in_dim3A_44 : vector<1024x32xi1>, vector<1024x32xf32>
    %get3A_46 = arith.constant 0 : index
    %get3A_47 = arith.constant 0 : index
    %get3A_48 = vector.load %arg6[%get3A_46, %get3A_47] : memref<16x32xf32, #tpu.memory_space<vmem>>, vector<16x32xf32>
    %dot_general3A_49 = arith.constant dense<0.000000e+00> : vector<1024x16xf32>
    %dot_general3A_50 = tpu.matmul %max3A_39, %get3A_48, %dot_general3A_49 {dimension_numbers = #tpu.dot_dimension_numbers<[1], [1], [0], [0], [0, 0, 1, 0], [], []>, transpose_lhs_hint = false} : vector<1024x32xf32>, vector<16x32xf32>, vector<1024x16xf32> -> vector<1024x16xf32>
    %get3A_51 = arith.constant 0 : index
    %get3A_52 = vector.load %arg7[%get3A_51] : memref<16xf32, #tpu.memory_space<vmem>>, vector<16xf32>
    %broadcast_in_dim3A_53 = vector.shape_cast %get3A_52 : vector<16xf32> to vector<1x16xf32>
    %add3A_54 = vector.broadcast %broadcast_in_dim3A_53 : vector<1x16xf32> to vector<1024x16xf32>
    %add3A_55 = arith.addf %dot_general3A_50, %add3A_54 : vector<1024x16xf32>
    %get3A_56 = arith.constant 0 : index
    %get3A_57 = arith.constant 0 : index
    %get3A_58 = vector.load %arg6[%get3A_56, %get3A_57] : memref<16x32xf32, #tpu.memory_space<vmem>>, vector<16x32xf32>
    %dot_general3A_59 = arith.constant dense<0.000000e+00> : vector<1024x16xf32>
    %dot_general3A_60 = tpu.matmul %select_n3A_45, %get3A_58, %dot_general3A_59 {dimension_numbers = #tpu.dot_dimension_numbers<[1], [1], [0], [0], [0, 0, 1, 0], [], []>, transpose_lhs_hint = false} : vector<1024x32xf32>, vector<16x32xf32>, vector<1024x16xf32> -> vector<1024x16xf32>
    %add3A_61 = arith.addf %add3A_55, %dot_general3A_60 : vector<1024x16xf32>
    %swap3A = arith.constant 0 : index
    %swap3A_62 = arith.constant 0 : index
    %swap3A_63 = vector.load %arg15[%swap3A, %swap3A_62] : memref<1024x16xf32, #tpu.memory_space<vmem>>, vector<1024x16xf32>
    tpu.vector_store %arg15[%swap3A, %swap3A_62], %add3A_61 {strides = array<i32>} : memref<1024x16xf32, #tpu.memory_space<vmem>>, vector<1024x16xf32>,
    %get3A_64 = arith.constant 0 : index
    %get3A_65 = arith.constant 0 : index
    %get3A_66 = vector.load %arg8[%get3A_64, %get3A_65] : memref<32x16xf32, #tpu.memory_space<vmem>>, vector<32x16xf32>
    %dot_general3A_67 = arith.constant dense<0.000000e+00> : vector<1024x32xf32>
    %dot_general3A_68 = tpu.matmul %add3A_61, %get3A_66, %dot_general3A_67 {dimension_numbers = #tpu.dot_dimension_numbers<[1], [1], [0], [0], [0, 0, 1, 0], [], []>, transpose_lhs_hint = false} : vector<1024x16xf32>, vector<32x16xf32>, vector<1024x32xf32> -> vector<1024x32xf32>
    %get3A_69 = arith.constant 0 : index
    %get3A_70 = vector.load %arg9[%get3A_69] : memref<32xf32, #tpu.memory_space<vmem>>, vector<32xf32>
    %broadcast_in_dim3A_71 = vector.shape_cast %get3A_70 : vector<32xf32> to vector<1x32xf32>
    %add3A_72 = vector.broadcast %broadcast_in_dim3A_71 : vector<1x32xf32> to vector<1024x32xf32>
    %add3A_73 = arith.addf %dot_general3A_68, %add3A_72 : vector<1024x32xf32>
    %max3A_74 = arith.constant 0.000000e+00 : f32
    %max3A_75 = vector.broadcast %max3A_74 : f32 to vector<1024x32xf32>
    %max3A_76 = arith.maximumf %add3A_73, %max3A_75 : vector<1024x32xf32>
    %get3A_77 = arith.constant 0 : index
    %get3A_78 = arith.constant 0 : index
    %get3A_79 = vector.load %arg10[%get3A_77, %get3A_78] : memref<64x32xf32, #tpu.memory_space<vmem>>, vector<64x32xf32>
    %dot_general3A_80 = arith.constant dense<0.000000e+00> : vector<1024x64xf32>
    %dot_general3A_81 = tpu.matmul %max3A_76, %get3A_79, %dot_general3A_80 {dimension_numbers = #tpu.dot_dimension_numbers<[1], [1], [0], [0], [0, 0, 1, 0], [], []>, transpose_lhs_hint = false} : vector<1024x32xf32>, vector<64x32xf32>, vector<1024x64xf32> -> vector<1024x64xf32>
    %get3A_82 = arith.constant 0 : index
    %get3A_83 = vector.load %arg11[%get3A_82] : memref<64xf32, #tpu.memory_space<vmem>>, vector<64xf32>
    %broadcast_in_dim3A_84 = vector.shape_cast %get3A_83 : vector<64xf32> to vector<1x64xf32>
    %add3A_85 = vector.broadcast %broadcast_in_dim3A_84 : vector<1x64xf32> to vector<1024x64xf32>
    %add3A_86 = arith.addf %dot_general3A_81, %add3A_85 : vector<1024x64xf32>
    %max3A_87 = arith.constant 0.000000e+00 : f32
    %max3A_88 = vector.broadcast %max3A_87 : f32 to vector<1024x64xf32>
    %max3A_89 = arith.maximumf %add3A_86, %max3A_88 : vector<1024x64xf32>
    %get3A_90 = arith.constant 0 : index
    %get3A_91 = arith.constant 0 : index
    %get3A_92 = vector.load %arg12[%get3A_90, %get3A_91] : memref<256x64xf32, #tpu.memory_space<vmem>>, vector<256x64xf32>
    %dot_general3A_93 = arith.constant dense<0.000000e+00> : vector<1024x256xf32>
    %dot_general3A_94 = tpu.matmul %max3A_89, %get3A_92, %dot_general3A_93 {dimension_numbers = #tpu.dot_dimension_numbers<[1], [1], [0], [0], [0, 0, 1, 0], [], []>, transpose_lhs_hint = false} : vector<1024x64xf32>, vector<256x64xf32>, vector<1024x256xf32> -> vector<1024x256xf32>
    %get3A_95 = arith.constant 0 : index
    %get3A_96 = vector.load %arg13[%get3A_95] : memref<256xf32, #tpu.memory_space<vmem>>, vector<256xf32>
    %broadcast_in_dim3A_97 = vector.shape_cast %get3A_96 : vector<256xf32> to vector<1x256xf32>
    %add3A_98 = vector.broadcast %broadcast_in_dim3A_97 : vector<1x256xf32> to vector<1024x256xf32>
    %add3A_99 = arith.addf %dot_general3A_94, %add3A_98 : vector<1024x256xf32>
    %swap3A_100 = arith.constant 0 : index
    %swap3A_101 = arith.constant 0 : index
    %swap3A_102 = vector.load %arg14[%swap3A_100, %swap3A_101] : memref<1024x256xf32, #tpu.memory_space<vmem>>, vector<1024x256xf32>
    tpu.vector_store %arg14[%swap3A_100, %swap3A_101], %add3A_99 {strides = array<i32>} : memref<1024x256xf32, #tpu.memory_space<vmem>>, vector<1024x256xf32>,
    return
  }
}

</mosaic_0001>

<sc_bundles>
// kernel: kernel.5.cloned.1.call-start
scs
__scs_entry_jumppad:
0x0: {  	(pc) =	sbr.rel $0x88, $3  }
0x1: {  	(tag) =	ssettag $0x0;
	lr =	simm.s32 $0x1  }
0x2: {  	[smem:$0x3F94] =	sst lr;
	_ =	strace $0xD0000000  }
0x3: {  	_ = 	snop  }
0x4: {  	_ = 	snop  }
0x5: {  	_ = 	snop  }
0x6: {  	_ = 	snop  }
0x7: {  	_ = 	snop  }
__scs_overlays_trampoline_lowered:
0x8: {  	[smem:$0x3FA3] =	sst s0  }
0x9: {  	[smem:$0x3FA4] =	sst s1  }
0xa: {  	[smem:$0x3FA5] =	sst s2  }
0xb: {  	[smem:$0x3FA6] =	sst s3  }
0xc: {  	[smem:$0x3FA7] =	sst s4  }
0xd: {  	[smem:$0x3FA8] =	sst s5  }
0xe: {  	[smem:$0x3FA9] =	sst s6  }
0xf: {  	[smem:$0x3FAA] =	sst s7  }
0x10: {  	[smem:$0x3FAB] =	sst s8  }
0x11: {  	[smem:$0x3FAC] =	sst s9;
	s0 =	simm.s32 @!p0 $0x0  }
0x12: {  	s1 =	sld [smem:$0x3F92];
	s0 =	simm.s32 @p0 $0x1  }
0x13: {  	[smem:$0x3FAD] =	sst s0;
	s0 =	simm.s32 @!p1 $0x0  }
0x14: {  	s2 =	sld [smem:$0x3F91];
	s0 =	simm.s32 @p1 $0x1  }
0x15: {  	[smem:$0x3FAE] =	sst s0;
	s0 =	simm.s32 @!p2 $0x0  }
0x16: {  	s3 =	sld [smem:$0x3FDB];
	s0 =	simm.s32 @p2 $0x1  }
0x17: {  	s4 =	simm.s32 $0x1BF5;
	[smem:$0x3FB0] =	sst s0  }
0x18: {  	s0 =	sld [smem:$0x3F93];
	_ =	swait.ge [sflag:s4], $0x0  }
0x19: {  	s7 =	sld [smem:$0x3F94]  }
0x1a: {  	s8 =	sadd.s32 $0xFFFFE003, lr  }
0x1b: {  	s9 =	sadd.s32 $0xFFFFFEF7, lr;
	s5 =	simm.s32 $0xFFFFFFFF;
	p2 =	slt.u32 s8, $0xFFFFF086  }
0x1c: {  	p1 =	slt.u32 s9, $0xF7A;
	s5 =	simm.s32 @!p2 $0x0  }
0x1d: {  	s5 =	simm.s32 @p1 $0x1;
	p0 =	seq.s32 s7, s2  }
0x1e: {  	s7 =	smul.u32 @!p0 $0xF7A, s2;
	p2 =	seq.s32 @!p0 s5, $0x0  }
0x1f: {  	s9 =	smul.u32 $0xF7A, s1;
	s8 =	simm.s32 @!p0 $0x1BF5;
	p2 =	por !p2, p0  }
0x20: {  	[sflag:s8] =	ssyncset.s32 @!p0 $0xFFFFF086;
	s6 =	sadd.s32 @!p0 s3, s7;
	s7 =	simm.s32 @!p0 $0x108  }
0x21: {  	s3 =	sadd.s32 s3, s9;
	s6 =	sadd.s32 @!p0 $0x88, s6;
	s7 =	simm.s32 @p2 $0x1082  }
0x22: {  	[simem:s7], [sflag:s8] =	dma.local @!p0 [hbm:s6], $0xF7A  }
0x23: {  	s9 =	sor.u32 $0xD0000000, s2;
	s6 =	simm.s32 $0x108;
	_ =	swait.ge @!p0 [sflag:s8], $0x0  }
0x24: {  	s3 =	sadd.s32 $0x88, s3;
	s6 =	simm.s32 @!p1 $0x1082;
	[sflag:s4] =	ssyncset.s32 $0xFFFFF086  }
0x25: {  	[simem:s6], [sflag:s4] =	dma.local [hbm:s3], $0xF7A  }
0x26: {  	[smem:$0x3F94] =	sst s1;
	(tag) =	ssettag s2;
	_ =	strace s9  }
0x27: {  	s1 =	sld [smem:$0x3FA4]  }
0x28: {  	s2 =	sld [smem:$0x3FA5]  }
0x29: {  	s4 =	sld [smem:$0x3FA7]  }
0x2a: {  	p0 =	seq.s32 s5, $0x0;
	s5 =	sld [smem:$0x3FA8]  }
0x2b: {  	s6 =	sld [smem:$0x3FA9]  }
0x2c: {  	s7 =	sld [smem:$0x3FAA]  }
0x2d: {  	s3 =	simm.s32 $0x108;
	s8 =	sld [smem:$0x3FAB]  }
0x2e: {  	s3 =	simm.s32 @!p0 $0x1082;
	s9 =	sld [smem:$0x3FAC]  }
0x2f: {  	lr =	sadd.s32 s0, s3;
	s0 =	sld [smem:$0x3FA3]  }
0x30: {  	s3 =	sld [smem:$0x3FA6]  }
0x31: {  	[smem:$0x3FAF] =	sst s10  }
0x32: {  	s10 =	sld [smem:$0x3FAD];
	_ =	sdelay $0x3  }
0x33: {  	p0 =	seq.s32 s10, $0x1;
	s10 =	sld [smem:$0x3FAF];
	_ =	sdelay $0x3  }
0x34: {  	[smem:$0x3FAF] =	sst s10  }
0x35: {  	s10 =	sld [smem:$0x3FAE];
	_ =	sdelay $0x3  }
0x36: {  	p1 =	seq.s32 s10, $0x1;
	s10 =	sld [smem:$0x3FAF];
	_ =	sdelay $0x3  }
0x37: {  	[smem:$0x3FAF] =	sst s10  }
0x38: {  	s10 =	sld [smem:$0x3FB0]  }
0x39: {  	_ = 	snop;
	(pc) =	sbr.ind lr, $3  }
0x3a: {  	_ = 	snop  }
0x3b: {  	_ = 	snop  }
0x3c: {  	p2 =	seq.s32 s10, $0x1;
	s10 =	sld [smem:$0x3FAF]  }
0x3d: {  	_ =	shalt  }
0x3e: {  	_ =	shalt  }
0x3f: {  	_ =	shalt  }
0x40: {  	_ =	shalt  }
0x41: {  	_ =	shalt  }
0x42: {  	_ =	shalt  }
0x43: {  	_ =	shalt  }
0x44: {  	_ =	shalt  }
0x45: {  	_ =	shalt  }
0x46: {  	_ =	shalt  }
0x47: {  	_ =	shalt  }
0x48: {  	_ =	shalt  }
0x49: {  	_ =	shalt  }
0x4a: {  	_ =	shalt  }
0x4b: {  	_ =	shalt  }
0x4c: {  	_ =	shalt  }
0x4d: {  	_ =	shalt  }
0x4e: {  	_ =	shalt  }
0x4f: {  	_ =	shalt  }
0x50: {  	_ =	shalt  }
0x51: {  	_ =	shalt  }
0x52: {  	_ =	shalt  }
0x53: {  	_ =	shalt  }
0x54: {  	_ =	shalt  }
0x55: {  	_ =	shalt  }
0x56: {  	_ =	shalt  }
0x57: {  	_ =	shalt  }
0x58: {  	_ =	shalt  }
0x59: {  	_ =	shalt  }
0x5a: {  	_ =	shalt  }
0x5b: {  	_ =	shalt  }
0x5c: {  	_ =	shalt  }
0x5d: {  	_ =	shalt  }
0x5e: {  	_ =	shalt  }
0x5f: {  	_ =	shalt  }
0x60: {  	_ =	shalt  }
0x61: {  	_ =	shalt  }
0x62: {  	_ =	shalt  }
0x63: {  	_ =	shalt  }
0x64: {  	_ =	shalt  }
0x65: {  	_ =	shalt  }
0x66: {  	_ =	shalt  }
0x67: {  	_ =	shalt  }
0x68: {  	_ =	shalt  }
0x69: {  	_ =	shalt  }
0x6a: {  	_ =	shalt  }
0x6b: {  	_ =	shalt  }
0x6c: {  	_ =	shalt  }
0x6d: {  	_ =	shalt  }
0x6e: {  	_ =	shalt  }
0x6f: {  	_ =	shalt  }
0x70: {  	_ =	shalt  }
0x71: {  	_ =	shalt  }
0x72: {  	_ =	shalt  }
0x73: {  	_ =	shalt  }
0x74: {  	_ =	shalt  }
0x75: {  	_ =	shalt  }
0x76: {  	_ =	shalt  }
0x77: {  	_ =	shalt  }
0x78: {  	_ =	shalt  }
0x79: {  	_ =	shalt  }
0x7a: {  	_ =	shalt  }
0x7b: {  	_ =	shalt  }
0x7c: {  	_ =	shalt  }
0x7d: {  	_ =	shalt  }
0x7e: {  	_ =	shalt  }
0x7f: {  	_ =	shalt  }
0x80: {  	_ =	shalt  }
0x81: {  	_ =	shalt  }
0x82: {  	_ =	shalt  }
0x83: {  	_ =	shalt  }
0x84: {  	_ =	shalt  }
0x85: {  	_ =	shalt  }
0x86: {  	_ =	shalt  }
0x87: {  	_ =	shalt  }
.Lfunc_end0:
.L_simem_size_0:
called_computation_lowered:
.L_overlay_start_0:
0x88: {  	s2 =	sld [smem:$0x3FD9]  }
0x89: {  	s3 =	sld [smem:$0x3FFE];
	_ =	sdelay $0x1  }
0x8a: {  	s1 =	srdreg.scid  }
0x8b: {  	s0 =	sand.u32 $0x1, s1  }
0x8c: {  	s15 =	sshll.u32 s0, $0xA;
	s2 =	sadd.s32 s3, s2  }
0x8d: {  	s2 =	sadd.s32 s2, s15  }
0x8e: {  	[smem:$0x3FBB] =	sst s2  }
0x8f: {  	_ = 	snop  }
0x90: {  	s2 =	sld [smem:$0x3FD0];
	_ =	sdelay $0x2  }
0x91: {  	s4 =	simm.s32 $0xA;
	s5 =	simm.s32 $0x10;
	s16 =	sld [smem:$0x3FC9]  }
0x92: {  	[smem:s5], [sflag:s4] =	dma.local [hbm:s2], $0x1  }
0x93: {  	_ =	swait.eq [sflag:s4], $0x1  }
0x94: {  	[sflag:s4] =	ssyncset.done $0x0  }
0x95: {  	s17 =	sld [smem:$0x10];
	[sflag:s4] =	ssyncadd.s32 $0xFFFFFFFF  }
0x96: {  	s18 =	sld [smem:$0x11];
	(tm) =	ssettm $0x1  }
0x97: {  	s19 =	sld [smem:$0x3FFB];
	_ =	sdelay $0x3  }
0x98: {  	_ =	strace s19  }
0x99: {  	s5 =	sld [smem:$0x3FFC];
	_ =	sdelay $0x3  }
0x9a: {  	_ =	strace s5  }
0x9b: {  	s5 =	sld [smem:$0x3FFD];
	_ =	sdelay $0x3  }
0x9c: {  	_ =	strace s5  }
0x9d: {  	_ =	strace $0x8FFFFFFF  }
0x9e: {  	s20 =	sld [smem:$0x3FDB];
	_ =	sdelay $0x1  }
0x9f: {  	s6 =	simm.s32 $_scs_section_size  }
0xa0: {  	s7 =	simm.s32 $_size__tile_overlayer_lowered;
	s8 =	simm.s32 $_tile_overlayer_lowered  }
0xa1: {  	s23 =	simm.s32 $0x1BFF;
	s22 =	sshll.u32 s8, $0x1;
	s5 =	sadd.s32 s6, s20  }
0xa2: {  	s9 =	simm.s32 $0x0;
	s21 =	sshll.u32 s7, $0x1;
	s7 =	sadd.s32 s22, s5  }
0xa3: {  	[timem:s9], [sflag:s23] =	dma.local [hbm:s7], s21  }
0xa4: {  	_ =	swait.ge [sflag:s23], s21  }
0xa5: {  	s6 =	ssub.s32 $0x0, s21;
	[sflag:s23] =	ssyncset.done $0x0  }
0xa6: {  	[sflag:s23] =	ssyncadd.s32 s6;
	_ =	sdelay $0x1  }
0xa7: {  	s24 =	simm.s32 $0x1B8B  }
0xa8: {  	_ =	swait.ge [sflag:s24], $0x1  }
0xa9: {  	[sflag:s24] =	ssyncset.done $0x0  }
0xaa: {  	s25 =	simm.s32 $0x1B8E;
	[sflag:s24] =	ssyncadd.s32 $0xFFFFFFFF  }
0xab: {  	s26 =	simm.s32 $execute0_lowered;
	[smem:$0x3FD2] =	sst s25  }
0xac: {  	s6 =	sshll.u32 s26, $0x1;
	_ =	strace $0x80000046;
	[dreg:$0x1] =	wrdreg $0xFFFFFFFF  }
0xad: {  	s28 =	simm.s32 $_size_execute0_lowered;
	s5 =	sadd.s32 s5, s6;
	[dreg:$0x0] =	wrdreg $0x0  }
0xae: {  	s6 =	sshll.u32 s28, $0x1;
	[dreg:$0x2] =	wrdreg s5  }
0xaf: {  	[dreg:$0x3] =	wrdreg s6  }
0xb0: {  	[dreg:$0x4] =	wrdreg $0xC0  }
0xb1: {  	_ =	task [dreg:s9], $0x5FFFF  }
0xb2: {  	[dreg:$0x1] =	wrdreg $0xFFFFFFFF  }
0xb3: {  	[dreg:$0x0] =	wrdreg $0x60  }
0xb4: {  	[dreg:$0x2] =	wrdreg s16  }
0xb5: {  	[dreg:$0x3] =	wrdreg s18  }
0xb6: {  	[dreg:$0x4] =	wrdreg s17  }
0xb7: {  	[dreg:$0x5] =	wrdreg $0x9  }
0xb8: {  	_ =	task.clear_ibuf [dreg:s9], $0x6FFFF;
	_ =	strace $0x90000046  }
0xb9: {  	s29 =	simm.s32 $0x9;
	_ =	strace $0x80000048  }
0xba: {  	_ =	swait.ge [sflag:s29], $0x1  }
0xbb: {  	[sflag:s29] =	ssyncadd.s32 $0xFFFFFFFF  }
0xbc: {  	_ =	strace $0x90000048  }
0xbd: {  	_ =	sfence  }
0xbe: {  	s30 =	sld [smem:$0x0];
	_ =	sdelay $0x2  }
0xbf: {  	s31 =	sshll.u32 s1, $0xD;
	s1 =	sshrl.u32 s1, $0x2  }
0xc0: {  	s3 =	sand.u32 $0x4000, s31;
	s1 =	sadd.s32 s1, s30  }
0xc1: {  	s0 =	sor.u32 s3, s0;
	s1 =	sshll.u32 s1, $0x11  }
0xc2: {  	s0 =	sor.u32 s1, s0  }
0xc3: {  	s0 =	sadd.s32 $0x8F2B, s0  }
0xc4: {  	[sflag:s0] =	ssyncadd.remote.s32 $0x1  }
0xc5: {  	_ =	sfence.sel $0xFFFF  }
0xc6: {  	[dreg:$0x0] =	wrdreg $0xFFFFFFFF;
	(pc) =	sbr.abs _section_cstart, $3  }
0xc7: {  	[dreg:$0x1] =	wrdreg $0xFFFFFFFF  }
0xc8: {  	_ =	task.clear_ibuf [dreg:s9], $0x2FFFF;
	_ =	strace $0x9FFFFFFF  }
0xc9: {  	(tm) =	ssettm $0x7FFFFFFF  }
tec
execute0_lowered:
.L_overlay_start_1:
0x0: {  	(tag) =	ssettag $0x1  }
0x1: {  	s1 =	rddreg [dreg:$0x0]  }
0x2: {  	s4 =	rddreg [dreg:$0x1]  }
0x3: {  	s5 =	rddreg [dreg:$0x2]  }
0x4: {  	s0 =	rddreg [dreg:$0x3];
	s3 =	simm.s32 $0x0;
	s6 =	srdreg.scid  }
0x5: {  	s2 =	stileid.u32;
	s10 =	simm.s32 $0x1080;
	s11 =	simm.s32 $0x1880  }
0x6: {  	s12 =	simm.s32 $0x1;
	[smem:$0x7FF] =	sst s3;
	s6 =	sand.u32 $0x1, s6  }
0x7: {  	s8 =	sshll.u32 s2, $0x6;
	s7 =	ssub.s32 $0x2, s6;
	s6 =	sshll.u32 s6, $0x5  }
0x8: {  	_ =	strace $0x80000047;
	s9 =	sshrl.u32 s7, $0x1;
	s6 =	sor.u32 s6, s8  }
0x9: {  	v2 =	vlaneseq.u32;
	s7 =	ssub.s32 s7, s9;
	s8 =	sshrl.u32 s6, $0x3;
	s6 =	sshll.u32 s6, $0x5  }
0xa: {  	vm0 =	vmmov $0xffff;
	v1 =	vshrl.u32 v2, $0x3;
	s9 =	simm.s32 $0x880;
	s4 =	sadd.s32 s4, s8;
	s5 =	sadd.s32 s5, s6  }
0xb: {  	v0 =	vand.u32 $0x7, v2;
	v2 =	vor.u32 $0x8, v2;
	v1 =	vmul.u32 $0x8, v1;
	s6 =	smax.u32 s7, $0x1;
	s7 =	simm.s32 $0x2;
	s8 =	simm.s32 $0x80  }
.LBB2_1:
0xc: {  	[tilespmem:s3], [sflag:$0x2] =	stream.linear.gather [hbm4b:s4+s3], $0x20, $0x38;
	[tilespmem:$0x2080] =	vst v63  }
0xd: {  	_ =	swait.ge [sflag:s7], $0x20  }
0xe: {  	[sflag:s7] =	ssyncset.done $0x0  }
0xf: {  	[sflag:s7] =	ssyncadd.s32 $0xFFFFFFE0  }
0x10: {  	v3 =	vld [tilespmem:$0x0];
	_ =	sdelay $0x4  }
0x11: {  	v4 =	vshll.u32 v3, $0x1  }
0x12: {  	v3 =	vand.u32 $0x7, v3;
	v4 =	vand.u32 $0xFFFFFFF0, v4  }
0x13: {  	v3 =	vor.u32 v3, v4  }
0x14: {  	v4 =	vperm.xlane v3, v0;
	_ =	sdelay $0x1  }
0x15: {  	v3 =	vperm.xlane v3, v2;
	v4 =	vadd.s32 v1, v4;
	_ =	sdelay $0x1  }
0x16: {  	v3 =	vadd.s32 v1, v3;
	_ =	sdelay $0x2  }
0x17: {  	[tilespmem:s8], [sflag:$0x1] =	stream.indirect_vreg.gather [hbm4b:s1+s3], $0x80, v4, vm0, $0xb8;
	[tilespmem:$0x2080] =	vst v63  }
0x18: {  	_ = 	snop  }
0x19: {  	[tilespmem:s9], [sflag:$0x1] =	stream.indirect_vreg.gather [hbm4b:s1+s3], $0x80, v3, vm0, $0xb8;
	[tilespmem:$0x2080] =	vst v63  }
0x1a: {  	v3 =	vld [tilespmem:$0x10];
	_ =	sdelay $0x4  }
0x1b: {  	v63 =	vshll.u32 v3, $0x1  }
0x1c: {  	v3 =	vand.u32 $0x7, v3;
	v4 =	vand.u32 $0xFFFFFFF0, v63  }
0x1d: {  	v3 =	vor.u32 v3, v4  }
0x1e: {  	v4 =	vperm.xlane v3, v0;
	_ =	sdelay $0x1  }
0x1f: {  	v3 =	vperm.xlane v3, v2;
	v4 =	vadd.s32 v1, v4;
	_ =	sdelay $0x1  }
0x20: {  	v3 =	vadd.s32 v1, v3;
	_ =	sdelay $0x2  }
0x21: {  	[tilespmem:s10], [sflag:$0x1] =	stream.indirect_vreg.gather [hbm4b:s1+s3], $0x80, v4, vm0, $0xb8;
	[tilespmem:$0x2080] =	vst v63  }
0x22: {  	_ = 	snop  }
0x23: {  	[tilespmem:s11], [sflag:$0x1] =	stream.indirect_vreg.gather [hbm4b:s1+s3], $0x80, v3, vm0, $0xb8;
	[tilespmem:$0x2080] =	vst v63  }
0x24: {  	_ =	swait.ge [sflag:s12], $0x2000  }
0x25: {  	p0 =	sne.s32 s6, $0x1;
	[sflag:s12] =	ssyncset.done $0x0  }
.Ltmp0:
0x26: {  	[sflag:s12] =	ssyncadd.s32 $0xFFFFE000;
	(pc) =	sbr.rel @p0 .LBB2_1-.Ltmp0, $4  }
0x27: {  	[hbm4b:s5+s3] =	stream.linear.scatter [tilespmem:s8], [sflag:$0x2], $0x2000, $0x38;
	[tilespmem:$0x2080] =	vst v63  }
0x28: {  	_ =	swait.ge [sflag:s7], $0x2000  }
0x29: {  	[sflag:s7] =	ssyncset.done $0x0  }
0x2a: {  	s6 =	sadd.s32 $0xFFFFFFFF, s6;
	[sflag:s7] =	ssyncadd.s32 $0xFFFFE000  }
0x2b: {  	_ =	sfence.sel $0x180000  }
0x2c: {  	[bflag:$0x0] =	sbarrier.arrive $0xFFFF  }
0x2d: {  	p0 =	sne.s32 s2, $0x0;
	_ =	strace $0x90000047  }
0x2e: {  	s0 =	sadd.s32 @!p0 $0x100000, s0;
	[bflag:$0x2] =	sbarrier.arrive $0xFFFF  }
0x2f: {  	[sflag:s0] =	ssyncadd.tile.s32 @!p0 $0x1;
	_ =	shalt  }
.Lfunc_end2:
_tile_overlayer_lowered:
.L_overlay_start_2:
0x30: {  	(tag) =	ssettag $0x2  }
0x31: {  	s0 =	rddreg [dreg:$0x0];
	s2 =	stileid.u32  }
0x32: {  	s1 =	rddreg [dreg:$0x1];
	p0 =	sne.s32 s2, $0x0  }
0x33: {  	s3 =	rddreg [dreg:$0x2];
	[bflag:$0x3] =	sbarrier.arrive $0xFFFF;
	s2 =	simm.s32 @!p0 $0x1C02  }
0x34: {  	[timem:s3], [sflag:s2] =	dma.local @!p0 [hbm:s0], s1  }
0x35: {  	s0 =	simm.s32 @!p0 $0x2  }
0x36: {  	_ =	swait.ge @!p0 [sflag:s0], s1  }
0x37: {  	s1 =	ssub.s32 @!p0 $0x0, s1;
	[sflag:s0] =	ssyncset.done @!p0 $0x0  }
0x38: {  	[sflag:s0] =	ssyncadd.s32 @!p0 s1  }
0x39: {  	[bflag:$0x3] =	sbarrier.arrive $0xFFFF  }
0x3a: {  	_ =	shalt  }

</sc_bundles>
